<compile_context>
chip_gen: v7x
topology: tpu7x:2x2x1
jax: 0.10.2.dev20260603
libtpu: 0.0.44.dev20260713+nightly
codegen_flags: <defaults>
</compile_context>

<pallas_src>
import jax
import jax.numpy as jnp
from jax.experimental import pallas as pl
from jax.experimental.pallas import tpu as pltpu

DIMC = 256
KTOT = 8192
NROWS = 8192
RT = 1024
KT = 2048
NPROG = NROWS // RT
NKT = KTOT // KT


def _vq_body(x_ref, ind_ref, e_ref, qz_ref,
             q_ref, diff_ref, perp_ref,
             counts_ref, dsum_ref):
    pi = pl.program_id(0)

    @pl.when(pi == 0)
    def _init():
        counts_ref[...] = jnp.zeros_like(counts_ref)
        dsum_ref[0, 0] = jnp.float32(0.0)

    x = x_ref[...]
    ind = ind_ref[...]

    q = jnp.zeros((RT, DIMC), jnp.float32)
    for t in range(NKT):
        ek = e_ref[:, t * KT:(t + 1) * KT]
        oh = (jax.lax.broadcasted_iota(jnp.int32, (RT, KT), 1) + (t * KT)
              == ind).astype(jnp.float32)
        q = q + jax.lax.dot_general(oh, ek, (((1,), (1,)), ((), ())),
                                    precision=jax.lax.Precision.HIGHEST,
                                    preferred_element_type=jnp.float32)
        counts_ref[:, t * KT:(t + 1) * KT] += jnp.sum(oh, axis=0, keepdims=True)

    q_ref[...] = x + (q - x)
    t = qz_ref[...] - x
    dsum_ref[0, 0] += jnp.sum(t * t)

    @pl.when(pi == NPROG - 1)
    def _fin():
        p = counts_ref[...] * jnp.float32(1.0 / NROWS)
        ent = jnp.sum(p * jnp.log(p + jnp.float32(1e-10)), keepdims=True)
        perp_ref[...] = jnp.exp(-ent).reshape(1, 1)
        diff_ref[...] = jnp.full((1, 1),
                                 dsum_ref[0, 0] * jnp.float32(2.0 / (NROWS * DIMC)))


def kernel(x, embed):
    B, C, H, W = x.shape
    xp = jnp.transpose(x, (0, 2, 3, 1))
    xr = jnp.transpose(xp.reshape(B, H, 1, W, 1, C), (0, 1, 3, 2, 4, 5))
    flatten = xr.reshape(-1, C)
    E = embed.reshape(-1, embed.shape[-1])
    dist = (jnp.sum(flatten ** 2, axis=1, keepdims=True)
            - 2.0 * flatten @ E
            + jnp.sum(E ** 2, axis=0, keepdims=True))
    ind = jnp.argmax(-dist, axis=1)
    codebook = jnp.transpose(embed, (3, 0, 1, 2))
    quantize = codebook[ind.reshape(B, H, W)]

    q, diff, perp = pl.pallas_call(
        _vq_body,
        grid=(NPROG,),
        in_specs=[
            pl.BlockSpec((RT, DIMC), lambda i: (i, 0)),
            pl.BlockSpec((RT, 1), lambda i: (i, 0)),
            pl.BlockSpec((DIMC, KTOT), lambda i: (0, 0)),
            pl.BlockSpec((RT, DIMC), lambda i: (i, 0)),
        ],
        out_specs=[
            pl.BlockSpec((RT, DIMC), lambda i: (i, 0)),
            pl.BlockSpec((1, 1), lambda i: (0, 0)),
            pl.BlockSpec((1, 1), lambda i: (0, 0)),
        ],
        out_shape=[
            jax.ShapeDtypeStruct((NROWS, DIMC), jnp.float32),
            jax.ShapeDtypeStruct((1, 1), jnp.float32),
            jax.ShapeDtypeStruct((1, 1), jnp.float32),
        ],
        scratch_shapes=[
            pltpu.VMEM((1, KTOT), jnp.float32),
            pltpu.SMEM((1, 1), jnp.float32),
        ],
    )(flatten, ind.reshape(-1, 1).astype(jnp.int32), E,
      quantize.reshape(-1, C))

    embed_ind = ind.reshape(B, H, W)
    qout = jnp.transpose(q.reshape(B, H, W, C), (0, 3, 1, 2))
    return qout, diff[0, 0], embed_ind, perp[0, 0]

# --- scband reference (transcript-rebuilt; emitter-appended) ---
"""Pipeline reference for scband-quantize-78752520340269 (READ-ONLY COPY).

The authoritative reference and input builder live on the scoring server;
editing this copy changes nothing except your own understanding.
"""

import jax, jax.numpy as jnp
import numpy as np

DIM = 256
K = 8192


def setup_inputs(seed: int = 0) -> dict:
    key = jax.random.key(seed)
    k1, k2 = jax.random.split(key)
    x = jax.random.normal(k1, (8, 256, 32, 32), dtype=jnp.float32)
    embed = jax.random.uniform(k2, (1, 1, DIM, K), dtype=jnp.float32, minval=-0.02, maxval=0.02)
    return {"x": x, "embed": embed}


def reference(x, embed):
    # x: [B, C, H, W], embed: [1, 1, dim, K] (size=(1,1))
    B, C, H, W = x.shape
    xp = jnp.transpose(x, (0, 2, 3, 1))  # [B, H, W, C]
    # size=(1,1): view(B, H, 1, W, 1, C).transpose(2,3) -> [B, H, W, 1, 1, C]
    xr = jnp.transpose(xp.reshape(B, H, 1, W, 1, C), (0, 1, 3, 2, 4, 5))
    flatten = xr.reshape(-1, C)  # [N, dim]
    E = embed.reshape(-1, embed.shape[-1])  # [dim, K]
    dist = (jnp.sum(flatten ** 2, axis=1, keepdims=True)
            - 2.0 * flatten @ E
            + jnp.sum(E ** 2, axis=0, keepdims=True))  # [N, K]
    embed_ind_flat = jnp.argmax(-dist, axis=1)  # [N]
    nK = embed.shape[-1]
    embed_ind = embed_ind_flat.reshape(B, H, W)
    # embed_code: embed.permute(3,0,1,2)[ind] -> [B, H, W, 1, 1, dim]
    codebook = jnp.transpose(embed, (3, 0, 1, 2))  # [K, 1, 1, dim]
    quantize = codebook[embed_ind]  # [B, H, W, 1, 1, dim]
    avg_probs = jax.nn.one_hot(embed_ind_flat, nK, dtype=jnp.float32).mean(axis=0)
    perplexity = jnp.exp(-jnp.sum(avg_probs * jnp.log(avg_probs + 1e-10)))
    diff = jnp.mean((jax.lax.stop_gradient(quantize) - xr) ** 2)
    # egu=True: add codebook-loss term
    diff = diff + jnp.mean((quantize - jax.lax.stop_gradient(xr)) ** 2)
    q = xr + jax.lax.stop_gradient(quantize - xr)  # straight-through
    q = jnp.swapaxes(q, 3, 2).reshape(B, H, -1, C)  # [B, H, W, C]
    q = jnp.transpose(q, (0, 3, 1, 2))  # [B, C, H, W]
    return q, diff, embed_ind, perplexity

if __name__ == "__main__":
    import jax
    _d = setup_inputs()
    print(jax.jit(kernel)(*tuple(_d.values())))

</pallas_src>

<mosaic_0001>
module attributes {stable_mosaic.version = 14 : i64} {
  func.func @_vq_body(%arg0: i32, %arg1: memref<1024x256xf32, #tpu.memory_space<vmem>>, %arg2: memref<1024x1xi32, #tpu.memory_space<vmem>>, %arg3: memref<256x8192xf32, #tpu.memory_space<vmem>>, %arg4: memref<1024x256xf32, #tpu.memory_space<vmem>>, %arg5: memref<1024x256xf32, #tpu.memory_space<vmem>>, %arg6: memref<1x1xf32, #tpu.memory_space<vmem>>, %arg7: memref<1x1xf32, #tpu.memory_space<vmem>>, %arg8: memref<1x8192xf32, #tpu.memory_space<vmem>>, %arg9: memref<1x1xf32, #tpu.memory_space<smem>>) attributes {dimension_semantics = [#tpu.dimension_semantics<arbitrary>], iteration_bounds = array<i64: 8>, scalar_prefetch = 0 : i64, scratch_operands = 2 : i64, tpu.core_type = #tpu.core_type<tc>, window_params = [{transform_indices = @transform_0, window_bounds = array<i64: 1024, 256>}, {transform_indices = @transform_1, window_bounds = array<i64: 1024, 1>}, {pipeline_mode = #tpu.pipeline_mode<synchronous>, transform_indices = @transform_2, window_bounds = array<i64: 256, 8192>}, {transform_indices = @transform_3, window_bounds = array<i64: 1024, 256>}, {transform_indices = @transform_4, window_bounds = array<i64: 1024, 256>}, {pipeline_mode = #tpu.pipeline_mode<synchronous>, transform_indices = @transform_5, window_bounds = array<i64: 1, 1>}, {pipeline_mode = #tpu.pipeline_mode<synchronous>, transform_indices = @transform_6, window_bounds = array<i64: 1, 1>}]} {
    %eq3A = arith.constant 0 : i32
    %eq3A_0 = arith.cmpi eq, %arg0, %eq3A : i32
    %convert_element_type3A = arith.extui %eq3A_0 : i1 to i32
    %cond3A = arith.constant 0 : i32
    %cond3A_1 = arith.cmpi ne, %convert_element_type3A, %cond3A : i32
    scf.if %cond3A_1 {
      %broadcast_in_dim3A_124 = arith.constant 0.000000e+00 : f32
      %broadcast_in_dim3A_125 = vector.broadcast %broadcast_in_dim3A_124 : f32 to vector<1x8192xf32>
      %swap3A_126 = arith.constant 0 : index
      %swap3A_127 = arith.constant 0 : index
      %swap3A_128 = vector.load %arg8[%swap3A_126, %swap3A_127] : memref<1x8192xf32, #tpu.memory_space<vmem>>, vector<1x8192xf32>
      tpu.vector_store %arg8[%swap3A_126, %swap3A_127], %broadcast_in_dim3A_125 {strides = array<i32>} : memref<1x8192xf32, #tpu.memory_space<vmem>>, vector<1x8192xf32>,
      %swap3A_129 = arith.constant 0.000000e+00 : f32
      %swap3A_130 = arith.constant 0 : index
      %swap3A_131 = arith.constant 0 : index
      %swap3A_132 = memref.load %arg9[%swap3A_130, %swap3A_131] : memref<1x1xf32, #tpu.memory_space<smem>>
      memref.store %swap3A_129, %arg9[%swap3A_130, %swap3A_131] : memref<1x1xf32, #tpu.memory_space<smem>>
    } else {
    }
    %get3A = arith.constant 0 : index
    %get3A_2 = arith.constant 0 : index
    %get3A_3 = vector.load %arg1[%get3A, %get3A_2] : memref<1024x256xf32, #tpu.memory_space<vmem>>, vector<1024x256xf32>
    %get3A_4 = arith.constant 0 : index
    %get3A_5 = arith.constant 0 : index
    %get3A_6 = vector.load %arg2[%get3A_4, %get3A_5] : memref<1024x1xi32, #tpu.memory_space<vmem>>, vector<1024x1xi32>
    %broadcast_in_dim3A = arith.constant 0.000000e+00 : f32
    %broadcast_in_dim3A_7 = vector.broadcast %broadcast_in_dim3A : f32 to vector<1024x256xf32>
    %get3A_8 = arith.constant 0 : index
    %get3A_9 = arith.constant 0 : index
    %get3A_10 = vector.load %arg3[%get3A_8, %get3A_9] : memref<256x8192xf32, #tpu.memory_space<vmem>>, vector<256x2048xf32>
    %iota3A = tpu.iota {dimensions = array<i32: 1>} : vector<1024x2048xi32>
    %add3A = arith.constant 0 : i32
    %add3A_11 = vector.broadcast %add3A : i32 to vector<1024x2048xi32>
    %add3A_12 = arith.addi %iota3A, %add3A_11 : vector<1024x2048xi32>
    %eq3A_13 = vector.broadcast %get3A_6 : vector<1024x1xi32> to vector<1024x2048xi32>
    %eq3A_14 = arith.cmpi eq, %add3A_12, %eq3A_13 : vector<1024x2048xi32>
    %convert_element_type3A_15 = arith.extui %eq3A_14 : vector<1024x2048xi1> to vector<1024x2048xi32>
    %convert_element_type3A_16 = arith.sitofp %convert_element_type3A_15 : vector<1024x2048xi32> to vector<1024x2048xf32>
    %dot_general3A = arith.constant dense<0.000000e+00> : vector<1024x256xf32>
    %dot_general3A_17 = tpu.matmul %convert_element_type3A_16, %get3A_10, %dot_general3A {dimension_numbers = #tpu.dot_dimension_numbers<[1], [1], [0], [0], [0, 0, 1, 0], [], []>, precision = #tpu.contract_precision<fp32>, transpose_lhs_hint = false} : vector<1024x2048xf32>, vector<256x2048xf32>, vector<1024x256xf32> -> vector<1024x256xf32>
    %add3A_18 = arith.addf %broadcast_in_dim3A_7, %dot_general3A_17 : vector<1024x256xf32>
    %get3A_19 = arith.constant 0 : index
    %get3A_20 = arith.constant 0 : index
    %get3A_21 = vector.load %arg8[%get3A_19, %get3A_20] : memref<1x8192xf32, #tpu.memory_space<vmem>>, vector<1x2048xf32>
    %reduce_sum3A = arith.constant dense<0.000000e+00> : vector<2048xf32>
    %reduce_sum3A_22 = vector.multi_reduction <add>, %convert_element_type3A_16, %reduce_sum3A [0] : vector<1024x2048xf32> to vector<2048xf32>
    %broadcast_in_dim3A_23 = vector.shape_cast %reduce_sum3A_22 : vector<2048xf32> to vector<1x2048xf32>
    %add3A_24 = arith.addf %get3A_21, %broadcast_in_dim3A_23 : vector<1x2048xf32>
    %swap3A = arith.constant 0 : index
    %swap3A_25 = arith.constant 0 : index
    %swap3A_26 = vector.load %arg8[%swap3A, %swap3A_25] : memref<1x8192xf32, #tpu.memory_space<vmem>>, vector<1x2048xf32>
    tpu.vector_store %arg8[%swap3A, %swap3A_25], %add3A_24 {strides = array<i32>} : memref<1x8192xf32, #tpu.memory_space<vmem>>, vector<1x2048xf32>,
    %get3A_27 = arith.constant 0 : index
    %get3A_28 = arith.constant 2048 : index
    %get3A_29 = vector.load %arg3[%get3A_27, %get3A_28] : memref<256x8192xf32, #tpu.memory_space<vmem>>, vector<256x2048xf32>
    %iota3A_30 = tpu.iota {dimensions = array<i32: 1>} : vector<1024x2048xi32>
    %add3A_31 = arith.constant 2048 : i32
    %add3A_32 = vector.broadcast %add3A_31 : i32 to vector<1024x2048xi32>
    %add3A_33 = arith.addi %iota3A_30, %add3A_32 : vector<1024x2048xi32>
    %eq3A_34 = vector.broadcast %get3A_6 : vector<1024x1xi32> to vector<1024x2048xi32>
    %eq3A_35 = arith.cmpi eq, %add3A_33, %eq3A_34 : vector<1024x2048xi32>
    %convert_element_type3A_36 = arith.extui %eq3A_35 : vector<1024x2048xi1> to vector<1024x2048xi32>
    %convert_element_type3A_37 = arith.sitofp %convert_element_type3A_36 : vector<1024x2048xi32> to vector<1024x2048xf32>
    %dot_general3A_38 = arith.constant dense<0.000000e+00> : vector<1024x256xf32>
    %dot_general3A_39 = tpu.matmul %convert_element_type3A_37, %get3A_29, %dot_general3A_38 {dimension_numbers = #tpu.dot_dimension_numbers<[1], [1], [0], [0], [0, 0, 1, 0], [], []>, precision = #tpu.contract_precision<fp32>, transpose_lhs_hint = false} : vector<1024x2048xf32>, vector<256x2048xf32>, vector<1024x256xf32> -> vector<1024x256xf32>
    %add3A_40 = arith.addf %add3A_18, %dot_general3A_39 : vector<1024x256xf32>
    %get3A_41 = arith.constant 0 : index
    %get3A_42 = arith.constant 2048 : index
    %get3A_43 = vector.load %arg8[%get3A_41, %get3A_42] : memref<1x8192xf32, #tpu.memory_space<vmem>>, vector<1x2048xf32>
    %reduce_sum3A_44 = arith.constant dense<0.000000e+00> : vector<2048xf32>
    %reduce_sum3A_45 = vector.multi_reduction <add>, %convert_element_type3A_37, %reduce_sum3A_44 [0] : vector<1024x2048xf32> to vector<2048xf32>
    %broadcast_in_dim3A_46 = vector.shape_cast %reduce_sum3A_45 : vector<2048xf32> to vector<1x2048xf32>
    %add3A_47 = arith.addf %get3A_43, %broadcast_in_dim3A_46 : vector<1x2048xf32>
    %swap3A_48 = arith.constant 0 : index
    %swap3A_49 = arith.constant 2048 : index
    %swap3A_50 = vector.load %arg8[%swap3A_48, %swap3A_49] : memref<1x8192xf32, #tpu.memory_space<vmem>>, vector<1x2048xf32>
    tpu.vector_store %arg8[%swap3A_48, %swap3A_49], %add3A_47 {strides = array<i32>} : memref<1x8192xf32, #tpu.memory_space<vmem>>, vector<1x2048xf32>,
    %get3A_51 = arith.constant 0 : index
    %get3A_52 = arith.constant 4096 : index
    %get3A_53 = vector.load %arg3[%get3A_51, %get3A_52] : memref<256x8192xf32, #tpu.memory_space<vmem>>, vector<256x2048xf32>
    %iota3A_54 = tpu.iota {dimensions = array<i32: 1>} : vector<1024x2048xi32>
    %add3A_55 = arith.constant 4096 : i32
    %add3A_56 = vector.broadcast %add3A_55 : i32 to vector<1024x2048xi32>
    %add3A_57 = arith.addi %iota3A_54, %add3A_56 : vector<1024x2048xi32>
    %eq3A_58 = vector.broadcast %get3A_6 : vector<1024x1xi32> to vector<1024x2048xi32>
    %eq3A_59 = arith.cmpi eq, %add3A_57, %eq3A_58 : vector<1024x2048xi32>
    %convert_element_type3A_60 = arith.extui %eq3A_59 : vector<1024x2048xi1> to vector<1024x2048xi32>
    %convert_element_type3A_61 = arith.sitofp %convert_element_type3A_60 : vector<1024x2048xi32> to vector<1024x2048xf32>
    %dot_general3A_62 = arith.constant dense<0.000000e+00> : vector<1024x256xf32>
    %dot_general3A_63 = tpu.matmul %convert_element_type3A_61, %get3A_53, %dot_general3A_62 {dimension_numbers = #tpu.dot_dimension_numbers<[1], [1], [0], [0], [0, 0, 1, 0], [], []>, precision = #tpu.contract_precision<fp32>, transpose_lhs_hint = false} : vector<1024x2048xf32>, vector<256x2048xf32>, vector<1024x256xf32> -> vector<1024x256xf32>
    %add3A_64 = arith.addf %add3A_40, %dot_general3A_63 : vector<1024x256xf32>
    %get3A_65 = arith.constant 0 : index
    %get3A_66 = arith.constant 4096 : index
    %get3A_67 = vector.load %arg8[%get3A_65, %get3A_66] : memref<1x8192xf32, #tpu.memory_space<vmem>>, vector<1x2048xf32>
    %reduce_sum3A_68 = arith.constant dense<0.000000e+00> : vector<2048xf32>
    %reduce_sum3A_69 = vector.multi_reduction <add>, %convert_element_type3A_61, %reduce_sum3A_68 [0] : vector<1024x2048xf32> to vector<2048xf32>
    %broadcast_in_dim3A_70 = vector.shape_cast %reduce_sum3A_69 : vector<2048xf32> to vector<1x2048xf32>
    %add3A_71 = arith.addf %get3A_67, %broadcast_in_dim3A_70 : vector<1x2048xf32>
    %swap3A_72 = arith.constant 0 : index
    %swap3A_73 = arith.constant 4096 : index
    %swap3A_74 = vector.load %arg8[%swap3A_72, %swap3A_73] : memref<1x8192xf32, #tpu.memory_space<vmem>>, vector<1x2048xf32>
    tpu.vector_store %arg8[%swap3A_72, %swap3A_73], %add3A_71 {strides = array<i32>} : memref<1x8192xf32, #tpu.memory_space<vmem>>, vector<1x2048xf32>,
    %get3A_75 = arith.constant 0 : index
    %get3A_76 = arith.constant 6144 : index
    %get3A_77 = vector.load %arg3[%get3A_75, %get3A_76] : memref<256x8192xf32, #tpu.memory_space<vmem>>, vector<256x2048xf32>
    %iota3A_78 = tpu.iota {dimensions = array<i32: 1>} : vector<1024x2048xi32>
    %add3A_79 = arith.constant 6144 : i32
    %add3A_80 = vector.broadcast %add3A_79 : i32 to vector<1024x2048xi32>
    %add3A_81 = arith.addi %iota3A_78, %add3A_80 : vector<1024x2048xi32>
    %eq3A_82 = vector.broadcast %get3A_6 : vector<1024x1xi32> to vector<1024x2048xi32>
    %eq3A_83 = arith.cmpi eq, %add3A_81, %eq3A_82 : vector<1024x2048xi32>
    %convert_element_type3A_84 = arith.extui %eq3A_83 : vector<1024x2048xi1> to vector<1024x2048xi32>
    %convert_element_type3A_85 = arith.sitofp %convert_element_type3A_84 : vector<1024x2048xi32> to vector<1024x2048xf32>
    %dot_general3A_86 = arith.constant dense<0.000000e+00> : vector<1024x256xf32>
    %dot_general3A_87 = tpu.matmul %convert_element_type3A_85, %get3A_77, %dot_general3A_86 {dimension_numbers = #tpu.dot_dimension_numbers<[1], [1], [0], [0], [0, 0, 1, 0], [], []>, precision = #tpu.contract_precision<fp32>, transpose_lhs_hint = false} : vector<1024x2048xf32>, vector<256x2048xf32>, vector<1024x256xf32> -> vector<1024x256xf32>
    %add3A_88 = arith.addf %add3A_64, %dot_general3A_87 : vector<1024x256xf32>
    %get3A_89 = arith.constant 0 : index
    %get3A_90 = arith.constant 6144 : index
    %get3A_91 = vector.load %arg8[%get3A_89, %get3A_90] : memref<1x8192xf32, #tpu.memory_space<vmem>>, vector<1x2048xf32>
    %reduce_sum3A_92 = arith.constant dense<0.000000e+00> : vector<2048xf32>
    %reduce_sum3A_93 = vector.multi_reduction <add>, %convert_element_type3A_85, %reduce_sum3A_92 [0] : vector<1024x2048xf32> to vector<2048xf32>
    %broadcast_in_dim3A_94 = vector.shape_cast %reduce_sum3A_93 : vector<2048xf32> to vector<1x2048xf32>
    %add3A_95 = arith.addf %get3A_91, %broadcast_in_dim3A_94 : vector<1x2048xf32>
    %swap3A_96 = arith.constant 0 : index
    %swap3A_97 = arith.constant 6144 : index
    %swap3A_98 = vector.load %arg8[%swap3A_96, %swap3A_97] : memref<1x8192xf32, #tpu.memory_space<vmem>>, vector<1x2048xf32>
    tpu.vector_store %arg8[%swap3A_96, %swap3A_97], %add3A_95 {strides = array<i32>} : memref<1x8192xf32, #tpu.memory_space<vmem>>, vector<1x2048xf32>,
    %sub3A = arith.subf %add3A_88, %get3A_3 : vector<1024x256xf32>
    %add3A_99 = arith.addf %get3A_3, %sub3A : vector<1024x256xf32>
    %swap3A_100 = arith.constant 0 : index
    %swap3A_101 = arith.constant 0 : index
    %swap3A_102 = vector.load %arg5[%swap3A_100, %swap3A_101] : memref<1024x256xf32, #tpu.memory_space<vmem>>, vector<1024x256xf32>
    tpu.vector_store %arg5[%swap3A_100, %swap3A_101], %add3A_99 {strides = array<i32>} : memref<1024x256xf32, #tpu.memory_space<vmem>>, vector<1024x256xf32>,
    %get3A_103 = arith.constant 0 : index
    %get3A_104 = arith.constant 0 : index
    %get3A_105 = vector.load %arg4[%get3A_103, %get3A_104] : memref<1024x256xf32, #tpu.memory_space<vmem>>, vector<1024x256xf32>
    %sub3A_106 = arith.subf %get3A_105, %get3A_3 : vector<1024x256xf32>
    %get3A_107 = arith.constant 0 : index
    %get3A_108 = arith.constant 0 : index
    %get3A_109 = memref.load %arg9[%get3A_107, %get3A_108] : memref<1x1xf32, #tpu.memory_space<smem>>
    %mul3A = arith.mulf %sub3A_106, %sub3A_106 : vector<1024x256xf32>
    %reduce_sum3A_110 = vector.shape_cast %mul3A : vector<1024x256xf32> to vector<1x1024x256xf32>
    %reduce_sum3A_111 = arith.constant dense<0.000000e+00> : vector<1xf32>
    %reduce_sum3A_112 = vector.multi_reduction <add>, %reduce_sum3A_110, %reduce_sum3A_111 [1, 2] : vector<1x1024x256xf32> to vector<1xf32>
    %reduce_sum3A_113 = vector.shape_cast %reduce_sum3A_112 : vector<1xf32> to vector<1x1x1xf32>
    %reduce_sum3A_114 = vector.extract %reduce_sum3A_113[0, 0, 0] : f32 from vector<1x1x1xf32>
    %add3A_115 = arith.addf %get3A_109, %reduce_sum3A_114 : f32
    %swap3A_116 = arith.constant 0 : index
    %swap3A_117 = arith.constant 0 : index
    %swap3A_118 = memref.load %arg9[%swap3A_116, %swap3A_117] : memref<1x1xf32, #tpu.memory_space<smem>>
    memref.store %add3A_115, %arg9[%swap3A_116, %swap3A_117] : memref<1x1xf32, #tpu.memory_space<smem>>
    %eq3A_119 = arith.constant 7 : i32
    %eq3A_120 = arith.cmpi eq, %arg0, %eq3A_119 : i32
    %convert_element_type3A_121 = arith.extui %eq3A_120 : i1 to i32
    %cond3A_122 = arith.constant 0 : i32
    %cond3A_123 = arith.cmpi ne, %convert_element_type3A_121, %cond3A_122 : i32
    scf.if %cond3A_123 {
      %get3A_124 = arith.constant 0 : index
      %get3A_125 = arith.constant 0 : index
      %get3A_126 = vector.load %arg8[%get3A_124, %get3A_125] : memref<1x8192xf32, #tpu.memory_space<vmem>>, vector<1x8192xf32>
      %mul3A_127 = arith.constant 1.22070313E-4 : f32
      %mul3A_128 = vector.broadcast %mul3A_127 : f32 to vector<1x8192xf32>
      %mul3A_129 = arith.mulf %get3A_126, %mul3A_128 : vector<1x8192xf32>
      %add3A_130 = arith.constant 1.000000e-10 : f32
      %add3A_131 = vector.broadcast %add3A_130 : f32 to vector<1x8192xf32>
      %add3A_132 = arith.addf %mul3A_129, %add3A_131 : vector<1x8192xf32>
      %log3A = math.log %add3A_132 : vector<1x8192xf32>
      %mul3A_133 = arith.mulf %mul3A_129, %log3A : vector<1x8192xf32>
      %reduce_sum3A_134 = vector.shape_cast %mul3A_133 : vector<1x8192xf32> to vector<1x1x8192xf32>
      %reduce_sum3A_135 = arith.constant dense<0.000000e+00> : vector<1xf32>
      %reduce_sum3A_136 = vector.multi_reduction <add>, %reduce_sum3A_134, %reduce_sum3A_135 [1, 2] : vector<1x1x8192xf32> to vector<1xf32>
      %reduce_sum3A_137 = vector.shape_cast %reduce_sum3A_136 : vector<1xf32> to vector<1x1x1xf32>
      %reduce_sum3A_138 = vector.extract %reduce_sum3A_137[0, 0, 0] : f32 from vector<1x1x1xf32>
      %broadcast_in_dim3A_139 = vector.broadcast %reduce_sum3A_138 : f32 to vector<1x1xf32>
      %neg3A = arith.constant 0.000000e+00 : f32
      %neg3A_140 = vector.broadcast %neg3A : f32 to vector<1x1xf32>
      %neg3A_141 = arith.subf %neg3A_140, %broadcast_in_dim3A_139 : vector<1x1xf32>
      %exp3A = math.exp %neg3A_141 : vector<1x1xf32>
      %swap3A_142 = arith.constant 0 : index
      %swap3A_143 = arith.constant 0 : index
      %swap3A_144 = vector.load %arg7[%swap3A_142, %swap3A_143] : memref<1x1xf32, #tpu.memory_space<vmem>>, vector<1x1xf32>
      tpu.vector_store %arg7[%swap3A_142, %swap3A_143], %exp3A {strides = array<i32>} : memref<1x1xf32, #tpu.memory_space<vmem>>, vector<1x1xf32>,
      %get3A_145 = arith.constant 0 : index
      %get3A_146 = arith.constant 0 : index
      %get3A_147 = memref.load %arg9[%get3A_145, %get3A_146] : memref<1x1xf32, #tpu.memory_space<smem>>
      %mul3A_148 = arith.constant 9.53674316E-7 : f32
      %mul3A_149 = arith.mulf %get3A_147, %mul3A_148 : f32
      %broadcast_in_dim3A_150 = vector.broadcast %mul3A_149 : f32 to vector<1x1xf32>
      %swap3A_151 = arith.constant 0 : index
      %swap3A_152 = arith.constant 0 : index
      %swap3A_153 = vector.load %arg6[%swap3A_151, %swap3A_152] : memref<1x1xf32, #tpu.memory_space<vmem>>, vector<1x1xf32>
      tpu.vector_store %arg6[%swap3A_151, %swap3A_152], %broadcast_in_dim3A_150 {strides = array<i32>} : memref<1x1xf32, #tpu.memory_space<vmem>>, vector<1x1xf32>,
    } else {
    }
    return
  }
  func.func @transform_0(%arg0: i32) -> (i32, i32) {
    %c0_i32 = arith.constant 0 : i32
    %c0_i32_0 = arith.constant 0 : i32
    return %arg0, %c0_i32 : i32, i32
  }
  func.func @transform_1(%arg0: i32) -> (i32, i32) {
    %c0_i32 = arith.constant 0 : i32
    %c0_i32_0 = arith.constant 0 : i32
    return %arg0, %c0_i32 : i32, i32
  }
  func.func @transform_2(%arg0: i32) -> (i32, i32) {
    %c0_i32 = arith.constant 0 : i32
    %c0_i32_0 = arith.constant 0 : i32
    %c0_i32_1 = arith.constant 0 : i32
    return %c0_i32, %c0_i32_0 : i32, i32
  }
  func.func @transform_3(%arg0: i32) -> (i32, i32) {
    %c0_i32 = arith.constant 0 : i32
    %c0_i32_0 = arith.constant 0 : i32
    return %arg0, %c0_i32 : i32, i32
  }
  func.func @transform_4(%arg0: i32) -> (i32, i32) {
    %c0_i32 = arith.constant 0 : i32
    %c0_i32_0 = arith.constant 0 : i32
    return %arg0, %c0_i32 : i32, i32
  }
  func.func @transform_5(%arg0: i32) -> (i32, i32) {
    %c0_i32 = arith.constant 0 : i32
    %c0_i32_0 = arith.constant 0 : i32
    %c0_i32_1 = arith.constant 0 : i32
    return %c0_i32, %c0_i32_0 : i32, i32
  }
  func.func @transform_6(%arg0: i32) -> (i32, i32) {
    %c0_i32 = arith.constant 0 : i32
    %c0_i32_0 = arith.constant 0 : i32
    %c0_i32_1 = arith.constant 0 : i32
    return %c0_i32, %c0_i32_0 : i32, i32
  }
}

</mosaic_0001>

<sc_bundles>
// kernel: gather_offload_async_start
scs
__scs_entry_jumppad:
0x0: {  	(pc) =	sbr.rel $0x88, $3  }
0x1: {  	(tag) =	ssettag $0x0;
	lr =	simm.s32 $0x1  }
0x2: {  	[smem:$0x3F9F] =	sst lr;
	_ =	strace $0xD0000000  }
0x3: {  	_ = 	snop  }
0x4: {  	_ = 	snop  }
0x5: {  	_ = 	snop  }
0x6: {  	_ = 	snop  }
0x7: {  	_ = 	snop  }
__scs_overlays_trampoline_lowered:
0x8: {  	[smem:$0x3FAE] =	sst s0  }
0x9: {  	[smem:$0x3FAF] =	sst s1  }
0xa: {  	[smem:$0x3FB0] =	sst s2  }
0xb: {  	[smem:$0x3FB1] =	sst s3  }
0xc: {  	[smem:$0x3FB2] =	sst s4  }
0xd: {  	[smem:$0x3FB3] =	sst s5  }
0xe: {  	[smem:$0x3FB4] =	sst s6  }
0xf: {  	[smem:$0x3FB5] =	sst s7  }
0x10: {  	[smem:$0x3FB6] =	sst s8  }
0x11: {  	[smem:$0x3FB7] =	sst s9;
	s0 =	simm.s32 @!p0 $0x0  }
0x12: {  	s1 =	sld [smem:$0x3F9D];
	s0 =	simm.s32 @p0 $0x1  }
0x13: {  	[smem:$0x3FB8] =	sst s0;
	s0 =	simm.s32 @!p1 $0x0  }
0x14: {  	s2 =	sld [smem:$0x3F9C];
	s0 =	simm.s32 @p1 $0x1  }
0x15: {  	[smem:$0x3FB9] =	sst s0;
	s0 =	simm.s32 @!p2 $0x0  }
0x16: {  	s3 =	sld [smem:$0x3FDB];
	s0 =	simm.s32 @p2 $0x1  }
0x17: {  	s4 =	simm.s32 $0x1BF5;
	[smem:$0x3FBB] =	sst s0  }
0x18: {  	s0 =	sld [smem:$0x3F9E];
	_ =	swait.ge [sflag:s4], $0x0  }
0x19: {  	s7 =	sld [smem:$0x3F9F]  }
0x1a: {  	s8 =	sadd.s32 $0xFFFFE003, lr  }
0x1b: {  	s9 =	sadd.s32 $0xFFFFFEF7, lr;
	s5 =	simm.s32 $0xFFFFFFFF;
	p2 =	slt.u32 s8, $0xFFFFF086  }
0x1c: {  	p1 =	slt.u32 s9, $0xF7A;
	s5 =	simm.s32 @!p2 $0x0  }
0x1d: {  	s5 =	simm.s32 @p1 $0x1;
	p0 =	seq.s32 s7, s2  }
0x1e: {  	s7 =	smul.u32 @!p0 $0xF7A, s2;
	p2 =	seq.s32 @!p0 s5, $0x0  }
0x1f: {  	s9 =	smul.u32 $0xF7A, s1;
	s8 =	simm.s32 @!p0 $0x1BF5;
	p2 =	por !p2, p0  }
0x20: {  	[sflag:s8] =	ssyncset.s32 @!p0 $0xFFFFF086;
	s6 =	sadd.s32 @!p0 s3, s7;
	s7 =	simm.s32 @!p0 $0x108  }
0x21: {  	s3 =	sadd.s32 s3, s9;
	s6 =	sadd.s32 @!p0 $0x88, s6;
	s7 =	simm.s32 @p2 $0x1082  }
0x22: {  	[simem:s7], [sflag:s8] =	dma.local @!p0 [hbm:s6], $0xF7A  }
0x23: {  	s9 =	sor.u32 $0xD0000000, s2;
	s6 =	simm.s32 $0x108;
	_ =	swait.ge @!p0 [sflag:s8], $0x0  }
0x24: {  	s3 =	sadd.s32 $0x88, s3;
	s6 =	simm.s32 @!p1 $0x1082;
	[sflag:s4] =	ssyncset.s32 $0xFFFFF086  }
0x25: {  	[simem:s6], [sflag:s4] =	dma.local [hbm:s3], $0xF7A  }
0x26: {  	[smem:$0x3F9F] =	sst s1;
	(tag) =	ssettag s2;
	_ =	strace s9  }
0x27: {  	s1 =	sld [smem:$0x3FAF]  }
0x28: {  	s2 =	sld [smem:$0x3FB0]  }
0x29: {  	s4 =	sld [smem:$0x3FB2]  }
0x2a: {  	p0 =	seq.s32 s5, $0x0;
	s5 =	sld [smem:$0x3FB3]  }
0x2b: {  	s6 =	sld [smem:$0x3FB4]  }
0x2c: {  	s7 =	sld [smem:$0x3FB5]  }
0x2d: {  	s3 =	simm.s32 $0x108;
	s8 =	sld [smem:$0x3FB6]  }
0x2e: {  	s3 =	simm.s32 @!p0 $0x1082;
	s9 =	sld [smem:$0x3FB7]  }
0x2f: {  	lr =	sadd.s32 s0, s3;
	s0 =	sld [smem:$0x3FAE]  }
0x30: {  	s3 =	sld [smem:$0x3FB1]  }
0x31: {  	[smem:$0x3FBA] =	sst s10  }
0x32: {  	s10 =	sld [smem:$0x3FB8];
	_ =	sdelay $0x3  }
0x33: {  	p0 =	seq.s32 s10, $0x1;
	s10 =	sld [smem:$0x3FBA];
	_ =	sdelay $0x3  }
0x34: {  	[smem:$0x3FBA] =	sst s10  }
0x35: {  	s10 =	sld [smem:$0x3FB9];
	_ =	sdelay $0x3  }
0x36: {  	p1 =	seq.s32 s10, $0x1;
	s10 =	sld [smem:$0x3FBA];
	_ =	sdelay $0x3  }
0x37: {  	[smem:$0x3FBA] =	sst s10  }
0x38: {  	s10 =	sld [smem:$0x3FBB]  }
0x39: {  	_ = 	snop;
	(pc) =	sbr.ind lr, $3  }
0x3a: {  	_ = 	snop  }
0x3b: {  	_ = 	snop  }
0x3c: {  	p2 =	seq.s32 s10, $0x1;
	s10 =	sld [smem:$0x3FBA]  }
0x3d: {  	_ =	shalt  }
0x3e: {  	_ =	shalt  }
0x3f: {  	_ =	shalt  }
0x40: {  	_ =	shalt  }
0x41: {  	_ =	shalt  }
0x42: {  	_ =	shalt  }
0x43: {  	_ =	shalt  }
0x44: {  	_ =	shalt  }
0x45: {  	_ =	shalt  }
0x46: {  	_ =	shalt  }
0x47: {  	_ =	shalt  }
0x48: {  	_ =	shalt  }
0x49: {  	_ =	shalt  }
0x4a: {  	_ =	shalt  }
0x4b: {  	_ =	shalt  }
0x4c: {  	_ =	shalt  }
0x4d: {  	_ =	shalt  }
0x4e: {  	_ =	shalt  }
0x4f: {  	_ =	shalt  }
0x50: {  	_ =	shalt  }
0x51: {  	_ =	shalt  }
0x52: {  	_ =	shalt  }
0x53: {  	_ =	shalt  }
0x54: {  	_ =	shalt  }
0x55: {  	_ =	shalt  }
0x56: {  	_ =	shalt  }
0x57: {  	_ =	shalt  }
0x58: {  	_ =	shalt  }
0x59: {  	_ =	shalt  }
0x5a: {  	_ =	shalt  }
0x5b: {  	_ =	shalt  }
0x5c: {  	_ =	shalt  }
0x5d: {  	_ =	shalt  }
0x5e: {  	_ =	shalt  }
0x5f: {  	_ =	shalt  }
0x60: {  	_ =	shalt  }
0x61: {  	_ =	shalt  }
0x62: {  	_ =	shalt  }
0x63: {  	_ =	shalt  }
0x64: {  	_ =	shalt  }
0x65: {  	_ =	shalt  }
0x66: {  	_ =	shalt  }
0x67: {  	_ =	shalt  }
0x68: {  	_ =	shalt  }
0x69: {  	_ =	shalt  }
0x6a: {  	_ =	shalt  }
0x6b: {  	_ =	shalt  }
0x6c: {  	_ =	shalt  }
0x6d: {  	_ =	shalt  }
0x6e: {  	_ =	shalt  }
0x6f: {  	_ =	shalt  }
0x70: {  	_ =	shalt  }
0x71: {  	_ =	shalt  }
0x72: {  	_ =	shalt  }
0x73: {  	_ =	shalt  }
0x74: {  	_ =	shalt  }
0x75: {  	_ =	shalt  }
0x76: {  	_ =	shalt  }
0x77: {  	_ =	shalt  }
0x78: {  	_ =	shalt  }
0x79: {  	_ =	shalt  }
0x7a: {  	_ =	shalt  }
0x7b: {  	_ =	shalt  }
0x7c: {  	_ =	shalt  }
0x7d: {  	_ =	shalt  }
0x7e: {  	_ =	shalt  }
0x7f: {  	_ =	shalt  }
0x80: {  	_ =	shalt  }
0x81: {  	_ =	shalt  }
0x82: {  	_ =	shalt  }
0x83: {  	_ =	shalt  }
0x84: {  	_ =	shalt  }
0x85: {  	_ =	shalt  }
0x86: {  	_ =	shalt  }
0x87: {  	_ =	shalt  }
.Lfunc_end0:
.L_simem_size_0:
called_computation_lowered:
.L_overlay_start_0:
0x88: {  	s2 =	sld [smem:$0x3FD9]  }
0x89: {  	s3 =	sld [smem:$0x3FFE];
	_ =	sdelay $0x1  }
0x8a: {  	s1 =	srdreg.scid  }
0x8b: {  	s0 =	sand.u32 $0x1, s1  }
0x8c: {  	s14 =	sshll.u32 s0, $0xA;
	s2 =	sadd.s32 s3, s2  }
0x8d: {  	s2 =	sadd.s32 s2, s14  }
0x8e: {  	[smem:$0x3FC6] =	sst s2  }
0x8f: {  	_ = 	snop  }
0x90: {  	s2 =	sld [smem:$0x3FD0];
	_ =	sdelay $0x2  }
0x91: {  	s15 =	simm.s32 $0xA;
	s4 =	simm.s32 $0x10  }
0x92: {  	[smem:s4], [sflag:s15] =	dma.local [hbm:s2], $0x1  }
0x93: {  	_ =	swait.eq [sflag:s15], $0x1  }
0x94: {  	[sflag:s15] =	ssyncset.done $0x0  }
0x95: {  	[sflag:s15] =	ssyncadd.s32 $0xFFFFFFFF  }
0x96: {  	s16 =	sld [smem:$0x10];
	(tm) =	ssettm $0x1  }
0x97: {  	s17 =	sld [smem:$0x3FFB];
	_ =	sdelay $0x3  }
0x98: {  	_ =	strace s17  }
0x99: {  	s3 =	sld [smem:$0x3FFC];
	_ =	sdelay $0x3  }
0x9a: {  	_ =	strace s3  }
0x9b: {  	s3 =	sld [smem:$0x3FFD];
	_ =	sdelay $0x3  }
0x9c: {  	_ =	strace s3  }
0x9d: {  	_ =	strace $0x8FFFFFFF  }
0x9e: {  	s18 =	sld [smem:$0x3FDB];
	_ =	sdelay $0x1  }
0x9f: {  	s19 =	simm.s32 $_scs_section_size  }
0xa0: {  	s5 =	simm.s32 $_size__tile_overlayer_lowered;
	s6 =	simm.s32 $_tile_overlayer_lowered  }
0xa1: {  	s22 =	simm.s32 $0x1BFF;
	s21 =	sshll.u32 s6, $0x1;
	s3 =	sadd.s32 s19, s18  }
0xa2: {  	s7 =	simm.s32 $0x0;
	s20 =	sshll.u32 s5, $0x1;
	s5 =	sadd.s32 s21, s3  }
0xa3: {  	[timem:s7], [sflag:s22] =	dma.local [hbm:s5], s20  }
0xa4: {  	_ =	swait.ge [sflag:s22], s20  }
0xa5: {  	s4 =	ssub.s32 $0x0, s20;
	[sflag:s22] =	ssyncset.done $0x0  }
0xa6: {  	[sflag:s22] =	ssyncadd.s32 s4;
	_ =	sdelay $0x1  }
0xa7: {  	s23 =	simm.s32 $0x1B8B  }
0xa8: {  	_ =	swait.ge [sflag:s23], $0x1  }
0xa9: {  	[sflag:s23] =	ssyncset.done $0x0  }
0xaa: {  	s25 =	simm.s32 $0x1B8E;
	s24 =	sld [smem:$0x3FFE];
	[sflag:s23] =	ssyncadd.s32 $0xFFFFFFFF  }
0xab: {  	s26 =	simm.s32 $execute0_lowered;
	[smem:$0x3FD2] =	sst s25  }
0xac: {  	s5 =	sshll.u32 s26, $0x1;
	_ =	strace $0x80000046;
	[dreg:$0x1] =	wrdreg $0xFFFFFFFF  }
0xad: {  	s28 =	simm.s32 $_size_execute0_lowered;
	s3 =	sadd.s32 s3, s5;
	[dreg:$0x0] =	wrdreg $0x0  }
0xae: {  	s5 =	sshll.u32 s28, $0x1;
	[dreg:$0x2] =	wrdreg s3  }
0xaf: {  	[dreg:$0x3] =	wrdreg s5  }
0xb0: {  	[dreg:$0x4] =	wrdreg $0xC0  }
0xb1: {  	_ =	task [dreg:s7], $0x5FFFF  }
0xb2: {  	[dreg:$0x1] =	wrdreg $0xFFFFFFFF  }
0xb3: {  	[dreg:$0x0] =	wrdreg $0x60  }
0xb4: {  	[dreg:$0x2] =	wrdreg s16  }
0xb5: {  	[dreg:$0x3] =	wrdreg s24  }
0xb6: {  	[dreg:$0x4] =	wrdreg $0x9  }
0xb7: {  	_ =	task.clear_ibuf [dreg:s7], $0x5FFFF;
	_ =	strace $0x90000046  }
0xb8: {  	s29 =	simm.s32 $0x9;
	_ =	strace $0x80000048  }
0xb9: {  	_ =	swait.ge [sflag:s29], $0x1  }
0xba: {  	[sflag:s29] =	ssyncadd.s32 $0xFFFFFFFF  }
0xbb: {  	_ =	strace $0x90000048  }
0xbc: {  	_ =	sfence  }
0xbd: {  	s30 =	sld [smem:$0x0];
	_ =	sdelay $0x2  }
0xbe: {  	s31 =	sshll.u32 s1, $0xD;
	s1 =	sshrl.u32 s1, $0x2  }
0xbf: {  	s3 =	sand.u32 $0x4000, s31;
	s1 =	sadd.s32 s1, s30  }
0xc0: {  	s0 =	sor.u32 s3, s0;
	s1 =	sshll.u32 s1, $0x11  }
0xc1: {  	s0 =	sor.u32 s1, s0  }
0xc2: {  	s0 =	sadd.s32 $0x8F2B, s0  }
0xc3: {  	[sflag:s0] =	ssyncadd.remote.s32 $0x1  }
0xc4: {  	_ =	sfence.sel $0xFFFF  }
0xc5: {  	[dreg:$0x0] =	wrdreg $0xFFFFFFFF;
	(pc) =	sbr.abs _section_cstart, $3  }
0xc6: {  	[dreg:$0x1] =	wrdreg $0xFFFFFFFF  }
0xc7: {  	_ =	task.clear_ibuf [dreg:s7], $0x2FFFF;
	_ =	strace $0x9FFFFFFF  }
0xc8: {  	(tm) =	ssettm $0x7FFFFFFF  }
0xc9: {  	_ =	shalt  }
tec
execute0_lowered:
.L_overlay_start_1:
0x0: {  	(tag) =	ssettag $0x1  }
0x1: {  	s2 =	rddreg [dreg:$0x0]  }
0x2: {  	s3 =	rddreg [dreg:$0x1]  }
0x3: {  	s0 =	rddreg [dreg:$0x2];
	s1 =	srdreg.scid;
	_ =	strace $0x80000047  }
0x4: {  	s4 =	simm.s32 $0x1;
	s9 =	simm.s32 $0x3;
	s5 =	sshll.u32 s1, $0x4  }
.Ltmp0:
0x5: {  	s1 =	stileid.u32;
	s5 =	sand.u32 $0x10, s5;
	(pc) =	sbr.rel .LBB2_1-.Ltmp0, $4  }
0x6: {  	s11 =	simm.s32 $0x0;
	p0 =	por $0x0, $0x0;
	s6 =	sor.u32 s1, s5  }
0x7: {  	[sflag:s4] =	ssyncpa.u1 $0x0;
	s5 =	simm.s32 $0x2;
	s6 =	sshll.u32 s6, $0x8  }
0x8: {  	s7 =	sadd.s32 $0x400, s3;
	[sflag:s5] =	ssyncpa.u1 $0x0;
	s8 =	sadd.s32 $0x100, s6  }
0x9: {  	vm0 =	vmmov $0xff;
	vm1 =	vcmask $0x3F20;
	[sflag:s9] =	ssyncpa.u1 $0x0;
	s10 =	smov.u32 s6;
	s9 =	simm.s32 $0x0  }
.LBB2_8:
0xa: {  	[hbm:s15] =	stream.linear.scatter [tilespmem:s12], [sflag:$0x3], $0x800, $0x38;
	[tilespmem:$0x10100] =	vst v63  }
.LBB2_9:
0xb: {  	p1 =	slt.u32 s9, $0x2;
	s11 =	sadd.s32 $0x80, s10  }
0xc: {  	s13 =	smov.u32 s6;
	s9 =	sadd.s32 $0x1, s9;
	p2 =	slt.s32 s11, s8  }
0xd: {  	s13 =	smov.u32 @p2 s11;
	p2 =	sne.s32 s9, $0x4  }
.Ltmp1:
0xe: {  	_ = 	snop;
	(pc) =	sbr.rel @!p2 .LBB2_10-.Ltmp1, $4  }
0xf: {  	s12 =	simm.s32 @!p1 $0x3  }
0x10: {  	_ =	swait.ge @!p1 [sflag:s12], $0x8000  }
0x11: {  	p0 =	por !p0, !p0;
	[sflag:s12] =	ssyncset.done @!p1 $0x0  }
0x12: {  	s11 =	smov.u32 s10;
	s10 =	smov.u32 s13;
	[sflag:s12] =	ssyncadd.s32 @!p1 $0xFFFF8000  }
.LBB2_1:
0x13: {  	p1 =	sgt.u32 s9, $0x1  }
0x14: {  	s12 =	sshll.u32 @!p1 s9, $0x7;
	s13 =	sshrl.u32 @!p1 s10, $0x3  }
0x15: {  	s14 =	sand.u32 @!p1 $0x7, s10;
	s12 =	sxor.u32 @!p1 $0x80, s12;
	s13 =	sadd.s32 @!p1 s3, s13  }
0x16: {  	[tilespmem:s12], [sflag:$0x2] =	stream.linear.gather @!p1 [hbm4b:s13+s14], $0x80, $0x38;
	[tilespmem:$0x10100] =	vst v63  }
0x17: {  	p1 =	seq.s32 s9, $0x0  }
0x18: {  	p2 =	seq.s32 @!p1 s9, $0x3  }
0x19: {  	p1 =	por p1, p2  }
.Ltmp2:
0x1a: {  	_ = 	snop;
	(pc) =	sbr.rel @p1 .LBB2_9-.Ltmp2, $1  }
0x1b: {  	_ =	sdelay $0x3  }
0x1c: {  	s12 =	simm.s32 $0x1;
	_ =	swait.ge [sflag:s5], $0x80;
	s13 =	sand.u32 $0x1, s9  }
0x1d: {  	s15 =	simm.s32 $0x0;
	s12 =	simm.s32 @!p0 $0x0;
	[sflag:s5] =	ssyncset.done $0x0  }
0x1e: {  	s14 =	sshll.u32 s13, $0xF;
	s13 =	sshll.u32 s13, $0x7;
	s12 =	sshll.u32 s12, $0xF  }
0x1f: {  	[sflag:s5] =	ssyncadd.s32 $0xFFFFFF80;
	s14 =	sor.u32 $0x100, s14;
	s12 =	sor.u32 $0x100, s12  }
.LBB2_3:
0x20: {  	s16 =	sshll.u32 s15, $0x4  }
0x21: {  	s16 =	sand.u32 $0x3FFFFFF0, s16  }
0x22: {  	s16 =	sadd.s32 s16, s13  }
0x23: {  	v0 =	vld.msk [tilespmem:s16+$0x0 ss:$0x1], $0xffff;
	_ =	sdelay $0x4  }
0x24: {  	vm2 =	vgt.s32 v0, $0x0  }
0x25: {  	v0 =	vnsel vm2, $0x0, v0  }
0x26: {  	v0 =	vmin.u32 v0, $0x1FFF  }
0x27: {  	s31 =	sshll.u32 s15, $0xC;
	v1 =	vshll.u32 v0, $0x5;
	v0 =	vshll.u32 v0, $0x4  }
0x28: {  	s16 =	sand.u32 $0x3FFFF000, s31;
	v1 =	vand.u32 $0x3FF00, v1;
	v0 =	vand.u32 $0x70, v0  }
0x29: {  	p1 =	por $0x1, $0x1;
	s17 =	simm.s32 $0x0;
	s16 =	sadd.s32 s16, s14;
	v0 =	vor.u32 v0, v1  }
.LBB2_4:
0x2a: {  	_ =	sdelay $0x1  }
0x2b: {  	s17 =	sshra.s32 s17, $0x2;
	p2 =	por p1, p1  }
.Ltmp3:
0x2c: {  	s17 =	sadd.s32 s17, s16;
	(pc) =	sbr.rel @p2 .LBB2_4-.Ltmp3, $4  }
0x2d: {  	[tilespmem:s17], [sflag:$0x1] =	stream.indirect_vreg.gather [hbm:s2], $0x80, v0, vm0, $0x38;
	[tilespmem:$0x10100] =	vst v63  }
0x2e: {  	s17 =	sadd.s32 $0x800, s17  }
0x2f: {  	[tilespmem:s17], [sflag:$0x1] =	stream.indirect_vreg.gather [hbm:s2], $0x80, v0, vm1, $0x38;
	[tilespmem:$0x10100] =	vst v63  }
0x30: {  	p1 =	por $0x0, $0x0;
	v0 =	vadd.s32 $0x80, v0;
	s17 =	simm.s32 $0x1000  }
0x31: {  	s15 =	sadd.s32 $0x1, s15  }
0x32: {  	p1 =	sne.s32 s15, $0x8  }
.Ltmp4:
0x33: {  	_ = 	snop;
	(pc) =	sbr.rel @p1 .LBB2_3-.Ltmp4, $1  }
0x34: {  	_ =	sdelay $0x3  }
0x35: {  	s13 =	sshll.u32 s11, $0x5  }
0x36: {  	s31 =	sshll.u32 s11, $0x4;
	s13 =	sand.u32 $0xFFFFFF00, s13  }
0x37: {  	_ =	swait.ge [sflag:s4], $0x8000;
	s11 =	sand.u32 $0x70, s31;
	s13 =	sadd.s32 s13, s7  }
0x38: {  	s14 =	sadd.s32 $0x800, s12;
	[sflag:s4] =	ssyncset.done $0x0;
	s11 =	sadd.s32 s11, s13  }
0x39: {  	[sflag:s4] =	ssyncadd.s32 $0xFFFF8000;
	s13 =	simm.s32 $0x100;
	s15 =	sadd.s32 $0x0, s11  }
.LBB2_7:
0x3a: {  	[hbm:s15] =	stream.linear.scatter [tilespmem:s12], [sflag:$0x3], $0x800, $0x38;
	[tilespmem:$0x10100] =	vst v63  }
0x3b: {  	s15 =	smov.u32 s13;
	s12 =	smov.u32 s14;
	p1 =	sne.s32 s13, $0xF00  }
.Ltmp5:
0x3c: {  	s13 =	sadd.s32 $0x100, s13;
	(pc) =	sbr.rel @p1 .LBB2_7-.Ltmp5, $2  }
0x3d: {  	_ =	sdelay $0x2  }
0x3e: {  	s14 =	sadd.s32 $0x800, s14;
	s15 =	sadd.s32 s15, s11  }
.Ltmp6:
0x3f: {  	_ = 	snop;
	(pc) =	sbr.rel .LBB2_8-.Ltmp6, $1  }
0x40: {  	_ =	sdelay $0x3  }
.LBB2_10:
0x41: {  	_ =	sfence.sel $0x180000  }
0x42: {  	s2 =	simm.s32 $0x2;
	[bflag:$0x0] =	sbarrier.arrive $0xFFFF  }
0x43: {  	s30 =	simm.s32 $0x3;
	[sflag:s2] =	ssyncpa.u1 $0x1  }
0x44: {  	s31 =	simm.s32 $0x1;
	[sflag:s30] =	ssyncpa.u1 $0x1  }
0x45: {  	[sflag:s31] =	ssyncpa.u1 $0x1  }
0x46: {  	p0 =	sne.s32 s1, $0x0;
	_ =	strace $0x90000047  }
0x47: {  	s0 =	sadd.s32 @!p0 $0x100000, s0;
	[bflag:$0x2] =	sbarrier.arrive $0xFFFF  }
0x48: {  	[sflag:s0] =	ssyncadd.tile.s32 @!p0 $0x1;
	_ =	shalt  }
.Lfunc_end2:
_tile_overlayer_lowered:
.L_overlay_start_2:
0x49: {  	(tag) =	ssettag $0x2  }
0x4a: {  	s0 =	rddreg [dreg:$0x0];
	s2 =	stileid.u32  }
0x4b: {  	s1 =	rddreg [dreg:$0x1];
	p0 =	sne.s32 s2, $0x0  }
0x4c: {  	s3 =	rddreg [dreg:$0x2];
	[bflag:$0x3] =	sbarrier.arrive $0xFFFF;
	s2 =	simm.s32 @!p0 $0x1C01  }
0x4d: {  	[timem:s3], [sflag:s2] =	dma.local @!p0 [hbm:s0], s1  }
0x4e: {  	s0 =	simm.s32 @!p0 $0x1  }
0x4f: {  	_ =	swait.ge @!p0 [sflag:s0], s1  }
0x50: {  	s1 =	ssub.s32 @!p0 $0x0, s1;
	[sflag:s0] =	ssyncset.done @!p0 $0x0  }
0x51: {  	[sflag:s0] =	ssyncadd.s32 @!p0 s1  }
0x52: {  	[bflag:$0x3] =	sbarrier.arrive $0xFFFF  }
0x53: {  	_ =	shalt  }

</sc_bundles>
